<compile_context>
chip_gen: v7x
topology: tpu7x:2x2x1
jax: 0.10.2.dev20260603
libtpu: 0.0.44.dev20260713+nightly
codegen_flags: <defaults>
</compile_context>

<pallas_src>
import functools

import jax
import jax.numpy as jnp
from jax import lax
from jax.experimental import pallas as pl
from jax.experimental.pallas import tpu as pltpu
from jax.experimental.pallas import tpu_sc as plsc

_BATCH = 4
_SEQ = 8192
_D = 1024
_B = _BATCH * _SEQ
_NC = 2
_NS = 16
_NW = _NC * _NS
_BPW = _B // _NW
_C = 32
_NCHUNK = _BPW // _C
_NBUF = 3


def kernel(X, pos_embed):
    idx = X.reshape(_B // _C, _C).astype(jnp.int32)
    mesh = plsc.VectorSubcoreMesh(
        core_axis_name="core", subcore_axis_name="subcore"
    )

    @functools.partial(
        pl.kernel,
        out_type=jax.ShapeDtypeStruct((_B, _D), pos_embed.dtype),
        mesh=mesh,
        scratch_types=[
            pltpu.VMEM((_NCHUNK, _C), jnp.int32),
            pltpu.VMEM((_NBUF, _C, _D), jnp.float32),
            pltpu.SemaphoreType.DMA((_NBUF,)),
            pltpu.SemaphoreType.DMA((_NBUF,)),
        ],
    )
    def gather_kernel(table_hbm, idx_hbm, out_hbm, idx_v, buf, gsem, ssem):
        wid = lax.axis_index("subcore") * _NC + lax.axis_index("core")
        pltpu.sync_copy(idx_hbm.at[pl.ds(wid * _NCHUNK, _NCHUNK)], idx_v)
        base = wid * _BPW

        def gather(c, k):
            return pltpu.make_async_copy(
                table_hbm.at[idx_v.at[c]], buf.at[k], gsem.at[k]
            )

        def store(c, k):
            return pltpu.make_async_copy(
                buf.at[k], out_hbm.at[pl.ds(base + c * _C, _C)], ssem.at[k]
            )

        for b in range(_NBUF - 1):
            gather(b, b).start()

        @pl.loop(0, _NCHUNK)
        def _(c):
            k = lax.rem(c, _NBUF)

            @pl.when(c >= 1)
            def _():
                store(c - 1, lax.rem(c + _NBUF - 1, _NBUF)).wait()

            @pl.when(c + _NBUF - 1 < _NCHUNK)
            def _():
                gather(c + _NBUF - 1, lax.rem(c + _NBUF - 1, _NBUF)).start()

            gather(c, k).wait()
            store(c, k).start()

        store(_NCHUNK - 1, (_NCHUNK - 1) % _NBUF).wait()

    out = gather_kernel(pos_embed, idx)
    return out.reshape(_BATCH, _SEQ, _D)

# --- scband reference (transcript-rebuilt; emitter-appended) ---
"""Pipeline reference for scband-positional-embedding-4836133175777 (READ-ONLY COPY).

The authoritative reference and input builder live on the scoring server;
editing this copy changes nothing except your own understanding.
"""

import jax, jax.numpy as jnp
import numpy as np

MAX_SEQ_LEN = 8192
EMBED_DIM = 1024
BATCH = 4
SEQ_LEN = 8192

def setup_inputs(seed: int = 0) -> dict:
    key = jax.random.key(seed)
    k1, k2 = jax.random.split(key)
    X = jax.random.randint(k1, (BATCH, SEQ_LEN), 0, MAX_SEQ_LEN, dtype=jnp.int64 if jax.config.jax_enable_x64 else jnp.int32)
    pos_embed = jax.random.normal(k2, (MAX_SEQ_LEN, EMBED_DIM), dtype=jnp.float32)
    return {"X": X, "pos_embed": pos_embed}

def reference(X, pos_embed):
    # Learned positional embedding: simple table lookup (gather)
    return jnp.take(pos_embed, X, axis=0)

if __name__ == "__main__":
    import jax
    _d = setup_inputs()
    print(jax.jit(kernel)(*tuple(_d.values())))

</pallas_src>

<mosaic_0001>
#map = affine_map<(d0, d1) -> (0, 0)>
module attributes {stable_mosaic.version = 14 : i64} {
  func.func @gather_kernel(%arg0: i32, %arg1: i32, %arg2: memref<8192x1024xf32, #tpu.memory_space<hbm>>, %arg3: memref<1024x32xi32, #tpu.memory_space<hbm>>, %arg4: memref<32768x1024xf32, #tpu.memory_space<hbm>>, %arg5: memref<32x32xi32, #tpu.memory_space<vmem>>, %arg6: memref<3x32x1024xf32, #tpu.memory_space<vmem>>, %arg7: memref<3x!tpu.dma_semaphore, #tpu.memory_space<semaphore_mem>>, %arg8: memref<3x!tpu.dma_semaphore, #tpu.memory_space<semaphore_mem>>) attributes {dimension_semantics = [#tpu.dimension_semantics<core_parallel>, #tpu.dimension_semantics<subcore_parallel>], iteration_bounds = array<i64: 2, 16>, scalar_prefetch = 0 : i64, scratch_operands = 4 : i64, tpu.core_type = #tpu.core_type<sc_vector_subcore>, window_params = [{transform_indices = #map}, {transform_indices = #map}, {transform_indices = #map}]} {
    %mul3A = arith.constant 2 : i32
    %mul3A_0 = arith.muli %arg1, %mul3A : i32
    %add3A = arith.addi %mul3A_0, %arg0 : i32
    %mul3A_1 = arith.constant 32 : i32
    %mul3A_2 = arith.muli %add3A, %mul3A_1 : i32
    "tpu.region"() ({
      %run_scoped3A = tpu.sem_alloc : memref<!tpu.dma_semaphore, #tpu.memory_space<semaphore_mem>>
      %dma_start3A_55 = arith.constant 0 : i32
      %dma_start3A_56 = tpu.memref_slice %arg3[%mul3A_2, %dma_start3A_55] : memref<1024x32xi32, #tpu.memory_space<hbm>> -> memref<32x32xi32, #tpu.memory_space<hbm>>
      %dma_start3A_57 = arith.constant 0 : i32
      %dma_start3A_58 = tpu.memref_slice %arg3[%mul3A_2, %dma_start3A_57] : memref<1024x32xi32, #tpu.memory_space<hbm>> -> memref<32x32xi32, #tpu.memory_space<hbm>>
      tpu.enqueue_dma source(%dma_start3A_58 : memref<32x32xi32, #tpu.memory_space<hbm>>) target(%arg5 : memref<32x32xi32, #tpu.memory_space<vmem>>) target_semaphore(%run_scoped3A : memref<!tpu.dma_semaphore, #tpu.memory_space<semaphore_mem>>)
      %dma_wait3A_59 = arith.constant 0 : i32
      %dma_wait3A_60 = tpu.memref_slice %arg3[%mul3A_2, %dma_wait3A_59] : memref<1024x32xi32, #tpu.memory_space<hbm>> -> memref<32x32xi32, #tpu.memory_space<hbm>>
      %dma_wait3A_61 = arith.constant 0 : i32
      %dma_wait3A_62 = tpu.memref_slice %arg3[%mul3A_2, %dma_wait3A_61] : memref<1024x32xi32, #tpu.memory_space<hbm>> -> memref<32x32xi32, #tpu.memory_space<hbm>>
      tpu.wait_dma2 semaphore(%run_scoped3A : memref<!tpu.dma_semaphore, #tpu.memory_space<semaphore_mem>>) src(%dma_wait3A_62 : memref<32x32xi32, #tpu.memory_space<hbm>>) dst(%arg5 : memref<32x32xi32, #tpu.memory_space<vmem>>)
      tpu.yield
    }) : () -> ()
    %mul3A_3 = arith.constant 1024 : i32
    %mul3A_4 = arith.muli %add3A, %mul3A_3 : i32
    %dma_start3A = arith.constant 0 : i32
    %dma_start3A_5 = arith.constant 0 : i32
    %dma_start3A_6 = arith.constant 0 : i32
    %dma_start3A_7 = arith.constant 0 : i32
    %dma_start3A_8 = arith.constant 0 : i32
    %dma_start3A_9 = tpu.memref_slice %arg6[%dma_start3A_5, %dma_start3A_7, %dma_start3A_8] : memref<3x32x1024xf32, #tpu.memory_space<vmem>> -> memref<1x32x1024xf32, #tpu.memory_space<vmem>>
    %dma_start3A_10 = tpu.memref_squeeze %dma_start3A_9 : memref<1x32x1024xf32, #tpu.memory_space<vmem>> -> memref<32x1024xf32, #tpu.memory_space<vmem>>
    %dma_start3A_11 = arith.constant 0 : i32
    %dma_start3A_12 = tpu.memref_slice %arg5[%dma_start3A, %dma_start3A_11] : memref<32x32xi32, #tpu.memory_space<vmem>> -> memref<1x32xi32, #tpu.memory_space<vmem>>
    %dma_start3A_13 = tpu.memref_squeeze %dma_start3A_12 : memref<1x32xi32, #tpu.memory_space<vmem>> -> memref<32xi32, #tpu.memory_space<vmem>>
    %dma_start3A_14 = arith.constant 0 : i32
    %dma_start3A_15 = arith.constant 0 : i32
    %dma_start3A_16 = tpu.memref_slice %arg2[%dma_start3A_14, %dma_start3A_15] : memref<8192x1024xf32, #tpu.memory_space<hbm>> -> memref<8192x1024xf32, #tpu.memory_space<hbm>>
    %dma_start3A_17 = tpu.memref_slice %arg7[%dma_start3A_6] : memref<3x!tpu.dma_semaphore, #tpu.memory_space<semaphore_mem>> -> memref<1x!tpu.dma_semaphore, #tpu.memory_space<semaphore_mem>>
    %dma_start3A_18 = tpu.memref_squeeze %dma_start3A_17 : memref<1x!tpu.dma_semaphore, #tpu.memory_space<semaphore_mem>> -> memref<!tpu.dma_semaphore, #tpu.memory_space<semaphore_mem>>
    tpu.enqueue_indirect_dma source(%dma_start3A_16 : memref<8192x1024xf32, #tpu.memory_space<hbm>>) target(%dma_start3A_10 : memref<32x1024xf32, #tpu.memory_space<vmem>>) offsets(%dma_start3A_13 : memref<32xi32, #tpu.memory_space<vmem>>) semaphore(%dma_start3A_18 : memref<!tpu.dma_semaphore, #tpu.memory_space<semaphore_mem>>)
    %dma_start3A_19 = arith.constant 1 : i32
    %dma_start3A_20 = arith.constant 1 : i32
    %dma_start3A_21 = arith.constant 1 : i32
    %dma_start3A_22 = arith.constant 0 : i32
    %dma_start3A_23 = arith.constant 0 : i32
    %dma_start3A_24 = tpu.memref_slice %arg6[%dma_start3A_20, %dma_start3A_22, %dma_start3A_23] : memref<3x32x1024xf32, #tpu.memory_space<vmem>> -> memref<1x32x1024xf32, #tpu.memory_space<vmem>>
    %dma_start3A_25 = tpu.memref_squeeze %dma_start3A_24 : memref<1x32x1024xf32, #tpu.memory_space<vmem>> -> memref<32x1024xf32, #tpu.memory_space<vmem>>
    %dma_start3A_26 = arith.constant 0 : i32
    %dma_start3A_27 = tpu.memref_slice %arg5[%dma_start3A_19, %dma_start3A_26] : memref<32x32xi32, #tpu.memory_space<vmem>> -> memref<1x32xi32, #tpu.memory_space<vmem>>
    %dma_start3A_28 = tpu.memref_squeeze %dma_start3A_27 : memref<1x32xi32, #tpu.memory_space<vmem>> -> memref<32xi32, #tpu.memory_space<vmem>>
    %dma_start3A_29 = arith.constant 0 : i32
    %dma_start3A_30 = arith.constant 0 : i32
    %dma_start3A_31 = tpu.memref_slice %arg2[%dma_start3A_29, %dma_start3A_30] : memref<8192x1024xf32, #tpu.memory_space<hbm>> -> memref<8192x1024xf32, #tpu.memory_space<hbm>>
    %dma_start3A_32 = tpu.memref_slice %arg7[%dma_start3A_21] : memref<3x!tpu.dma_semaphore, #tpu.memory_space<semaphore_mem>> -> memref<1x!tpu.dma_semaphore, #tpu.memory_space<semaphore_mem>>
    %dma_start3A_33 = tpu.memref_squeeze %dma_start3A_32 : memref<1x!tpu.dma_semaphore, #tpu.memory_space<semaphore_mem>> -> memref<!tpu.dma_semaphore, #tpu.memory_space<semaphore_mem>>
    tpu.enqueue_indirect_dma source(%dma_start3A_31 : memref<8192x1024xf32, #tpu.memory_space<hbm>>) target(%dma_start3A_25 : memref<32x1024xf32, #tpu.memory_space<vmem>>) offsets(%dma_start3A_28 : memref<32xi32, #tpu.memory_space<vmem>>) semaphore(%dma_start3A_33 : memref<!tpu.dma_semaphore, #tpu.memory_space<semaphore_mem>>)
    %scan3A = arith.constant 0 : i32
    %scan3A_34 = arith.constant 32 : i32
    %scan3A_35 = arith.addi %scan3A, %scan3A_34 : i32
    %scan3A_36 = arith.constant 1 : i32
    scf.for %scan3A_55 = %scan3A to %scan3A_35 step %scan3A_36  : i32 {
      %mul3A_56 = arith.constant 1 : i32
      %mul3A_57 = arith.muli %scan3A_55, %mul3A_56 : i32
      %add3A_58 = arith.constant 0 : i32
      %add3A_59 = arith.addi %add3A_58, %mul3A_57 : i32
      %rem3A = arith.constant 3 : i32
      %rem3A_60 = arith.remsi %add3A_59, %rem3A : i32
      %ge3A = arith.constant 1 : i32
      %ge3A_61 = arith.cmpi sge, %add3A_59, %ge3A : i32
      %convert_element_type3A = arith.extui %ge3A_61 : i1 to i32
      %cond3A = arith.constant 0 : i32
      %cond3A_62 = arith.cmpi ne, %convert_element_type3A, %cond3A : i32
      scf.if %cond3A_62 {
        %sub3A_99 = arith.constant 1 : i32
        %sub3A_100 = arith.subi %add3A_59, %sub3A_99 : i32
        %add3A_101 = arith.constant 3 : i32
        %add3A_102 = arith.addi %add3A_59, %add3A_101 : i32
        %sub3A_103 = arith.constant 1 : i32
        %sub3A_104 = arith.subi %add3A_102, %sub3A_103 : i32
        %rem3A_105 = arith.constant 3 : i32
        %rem3A_106 = arith.remsi %sub3A_104, %rem3A_105 : i32
        %mul3A_107 = arith.constant 32 : i32
        %mul3A_108 = arith.muli %sub3A_100, %mul3A_107 : i32
        %add3A_109 = arith.addi %mul3A_4, %mul3A_108 : i32
        %dma_wait3A_110 = arith.constant 0 : i32
        %dma_wait3A_111 = arith.constant 0 : i32
        %dma_wait3A_112 = tpu.memref_slice %arg6[%rem3A_106, %dma_wait3A_110, %dma_wait3A_111] : memref<3x32x1024xf32, #tpu.memory_space<vmem>> -> memref<1x32x1024xf32, #tpu.memory_space<vmem>>
        %dma_wait3A_113 = tpu.memref_squeeze %dma_wait3A_112 : memref<1x32x1024xf32, #tpu.memory_space<vmem>> -> memref<32x1024xf32, #tpu.memory_space<vmem>>
        %dma_wait3A_114 = arith.constant 0 : i32
        %dma_wait3A_115 = tpu.memref_slice %arg4[%add3A_109, %dma_wait3A_114] : memref<32768x1024xf32, #tpu.memory_space<hbm>> -> memref<32x1024xf32, #tpu.memory_space<hbm>>
        %dma_wait3A_116 = tpu.memref_slice %arg8[%rem3A_106] : memref<3x!tpu.dma_semaphore, #tpu.memory_space<semaphore_mem>> -> memref<1x!tpu.dma_semaphore, #tpu.memory_space<semaphore_mem>>
        %dma_wait3A_117 = tpu.memref_squeeze %dma_wait3A_116 : memref<1x!tpu.dma_semaphore, #tpu.memory_space<semaphore_mem>> -> memref<!tpu.dma_semaphore, #tpu.memory_space<semaphore_mem>>
        %dma_wait3A_118 = arith.constant 0 : i32
        %dma_wait3A_119 = tpu.memref_slice %arg4[%add3A_109, %dma_wait3A_118] : memref<32768x1024xf32, #tpu.memory_space<hbm>> -> memref<32x1024xf32, #tpu.memory_space<hbm>>
        %dma_wait3A_120 = arith.constant 0 : i32
        %dma_wait3A_121 = arith.constant 0 : i32
        %dma_wait3A_122 = tpu.memref_slice %arg6[%rem3A_106, %dma_wait3A_120, %dma_wait3A_121] : memref<3x32x1024xf32, #tpu.memory_space<vmem>> -> memref<1x32x1024xf32, #tpu.memory_space<vmem>>
        %dma_wait3A_123 = tpu.memref_squeeze %dma_wait3A_122 : memref<1x32x1024xf32, #tpu.memory_space<vmem>> -> memref<32x1024xf32, #tpu.memory_space<vmem>>
        tpu.wait_dma2 semaphore(%dma_wait3A_117 : memref<!tpu.dma_semaphore, #tpu.memory_space<semaphore_mem>>) src(%dma_wait3A_123 : memref<32x1024xf32, #tpu.memory_space<vmem>>) dst(%dma_wait3A_119 : memref<32x1024xf32, #tpu.memory_space<hbm>>)
      } else {
      }
      %add3A_63 = arith.constant 3 : i32
      %add3A_64 = arith.addi %add3A_59, %add3A_63 : i32
      %sub3A = arith.constant 1 : i32
      %sub3A_65 = arith.subi %add3A_64, %sub3A : i32
      %lt3A = arith.constant 32 : i32
      %lt3A_66 = arith.cmpi slt, %sub3A_65, %lt3A : i32
      %convert_element_type3A_67 = arith.extui %lt3A_66 : i1 to i32
      %cond3A_68 = arith.constant 0 : i32
      %cond3A_69 = arith.cmpi ne, %convert_element_type3A_67, %cond3A_68 : i32
      scf.if %cond3A_69 {
        %add3A_99 = arith.constant 3 : i32
        %add3A_100 = arith.addi %add3A_59, %add3A_99 : i32
        %sub3A_101 = arith.constant 1 : i32
        %sub3A_102 = arith.subi %add3A_100, %sub3A_101 : i32
        %add3A_103 = arith.constant 3 : i32
        %add3A_104 = arith.addi %add3A_59, %add3A_103 : i32
        %sub3A_105 = arith.constant 1 : i32
        %sub3A_106 = arith.subi %add3A_104, %sub3A_105 : i32
        %rem3A_107 = arith.constant 3 : i32
        %rem3A_108 = arith.remsi %sub3A_106, %rem3A_107 : i32
        %dma_start3A_109 = arith.constant 0 : i32
        %dma_start3A_110 = arith.constant 0 : i32
        %dma_start3A_111 = tpu.memref_slice %arg6[%rem3A_108, %dma_start3A_109, %dma_start3A_110] : memref<3x32x1024xf32, #tpu.memory_space<vmem>> -> memref<1x32x1024xf32, #tpu.memory_space<vmem>>
        %dma_start3A_112 = tpu.memref_squeeze %dma_start3A_111 : memref<1x32x1024xf32, #tpu.memory_space<vmem>> -> memref<32x1024xf32, #tpu.memory_space<vmem>>
        %dma_start3A_113 = arith.constant 0 : i32
        %dma_start3A_114 = tpu.memref_slice %arg5[%sub3A_102, %dma_start3A_113] : memref<32x32xi32, #tpu.memory_space<vmem>> -> memref<1x32xi32, #tpu.memory_space<vmem>>
        %dma_start3A_115 = tpu.memref_squeeze %dma_start3A_114 : memref<1x32xi32, #tpu.memory_space<vmem>> -> memref<32xi32, #tpu.memory_space<vmem>>
        %dma_start3A_116 = arith.constant 0 : i32
        %dma_start3A_117 = arith.constant 0 : i32
        %dma_start3A_118 = tpu.memref_slice %arg2[%dma_start3A_116, %dma_start3A_117] : memref<8192x1024xf32, #tpu.memory_space<hbm>> -> memref<8192x1024xf32, #tpu.memory_space<hbm>>
        %dma_start3A_119 = tpu.memref_slice %arg7[%rem3A_108] : memref<3x!tpu.dma_semaphore, #tpu.memory_space<semaphore_mem>> -> memref<1x!tpu.dma_semaphore, #tpu.memory_space<semaphore_mem>>
        %dma_start3A_120 = tpu.memref_squeeze %dma_start3A_119 : memref<1x!tpu.dma_semaphore, #tpu.memory_space<semaphore_mem>> -> memref<!tpu.dma_semaphore, #tpu.memory_space<semaphore_mem>>
        tpu.enqueue_indirect_dma source(%dma_start3A_118 : memref<8192x1024xf32, #tpu.memory_space<hbm>>) target(%dma_start3A_112 : memref<32x1024xf32, #tpu.memory_space<vmem>>) offsets(%dma_start3A_115 : memref<32xi32, #tpu.memory_space<vmem>>) semaphore(%dma_start3A_120 : memref<!tpu.dma_semaphore, #tpu.memory_space<semaphore_mem>>)
      } else {
      }
      %dma_wait3A_70 = arith.constant 0 : i32
      %dma_wait3A_71 = arith.constant 0 : i32
      %dma_wait3A_72 = tpu.memref_slice %arg6[%rem3A_60, %dma_wait3A_70, %dma_wait3A_71] : memref<3x32x1024xf32, #tpu.memory_space<vmem>> -> memref<1x32x1024xf32, #tpu.memory_space<vmem>>
      %dma_wait3A_73 = tpu.memref_squeeze %dma_wait3A_72 : memref<1x32x1024xf32, #tpu.memory_space<vmem>> -> memref<32x1024xf32, #tpu.memory_space<vmem>>
      %dma_wait3A_74 = arith.constant 0 : i32
      %dma_wait3A_75 = tpu.memref_slice %arg5[%add3A_59, %dma_wait3A_74] : memref<32x32xi32, #tpu.memory_space<vmem>> -> memref<1x32xi32, #tpu.memory_space<vmem>>
      %dma_wait3A_76 = tpu.memref_squeeze %dma_wait3A_75 : memref<1x32xi32, #tpu.memory_space<vmem>> -> memref<32xi32, #tpu.memory_space<vmem>>
      %dma_wait3A_77 = arith.constant 0 : i32
      %dma_wait3A_78 = arith.constant 0 : i32
      %dma_wait3A_79 = tpu.memref_slice %arg2[%dma_wait3A_77, %dma_wait3A_78] : memref<8192x1024xf32, #tpu.memory_space<hbm>> -> memref<8192x1024xf32, #tpu.memory_space<hbm>>
      %dma_wait3A_80 = tpu.memref_slice %arg7[%rem3A_60] : memref<3x!tpu.dma_semaphore, #tpu.memory_space<semaphore_mem>> -> memref<1x!tpu.dma_semaphore, #tpu.memory_space<semaphore_mem>>
      %dma_wait3A_81 = tpu.memref_squeeze %dma_wait3A_80 : memref<1x!tpu.dma_semaphore, #tpu.memory_space<semaphore_mem>> -> memref<!tpu.dma_semaphore, #tpu.memory_space<semaphore_mem>>
      tpu.wait_indirect_dma semaphore(%dma_wait3A_81 : memref<!tpu.dma_semaphore, #tpu.memory_space<semaphore_mem>>) src(%dma_wait3A_79 : memref<8192x1024xf32, #tpu.memory_space<hbm>>) dst(%dma_wait3A_73 : memref<32x1024xf32, #tpu.memory_space<vmem>>)
      %mul3A_82 = arith.constant 32 : i32
      %mul3A_83 = arith.muli %add3A_59, %mul3A_82 : i32
      %add3A_84 = arith.addi %mul3A_4, %mul3A_83 : i32
      %dma_start3A_85 = arith.constant 0 : i32
      %dma_start3A_86 = arith.constant 0 : i32
      %dma_start3A_87 = tpu.memref_slice %arg6[%rem3A_60, %dma_start3A_85, %dma_start3A_86] : memref<3x32x1024xf32, #tpu.memory_space<vmem>> -> memref<1x32x1024xf32, #tpu.memory_space<vmem>>
      %dma_start3A_88 = tpu.memref_squeeze %dma_start3A_87 : memref<1x32x1024xf32, #tpu.memory_space<vmem>> -> memref<32x1024xf32, #tpu.memory_space<vmem>>
      %dma_start3A_89 = arith.constant 0 : i32
      %dma_start3A_90 = tpu.memref_slice %arg4[%add3A_84, %dma_start3A_89] : memref<32768x1024xf32, #tpu.memory_space<hbm>> -> memref<32x1024xf32, #tpu.memory_space<hbm>>
      %dma_start3A_91 = tpu.memref_slice %arg8[%rem3A_60] : memref<3x!tpu.dma_semaphore, #tpu.memory_space<semaphore_mem>> -> memref<1x!tpu.dma_semaphore, #tpu.memory_space<semaphore_mem>>
      %dma_start3A_92 = tpu.memref_squeeze %dma_start3A_91 : memref<1x!tpu.dma_semaphore, #tpu.memory_space<semaphore_mem>> -> memref<!tpu.dma_semaphore, #tpu.memory_space<semaphore_mem>>
      %dma_start3A_93 = arith.constant 0 : i32
      %dma_start3A_94 = tpu.memref_slice %arg4[%add3A_84, %dma_start3A_93] : memref<32768x1024xf32, #tpu.memory_space<hbm>> -> memref<32x1024xf32, #tpu.memory_space<hbm>>
      %dma_start3A_95 = arith.constant 0 : i32
      %dma_start3A_96 = arith.constant 0 : i32
      %dma_start3A_97 = tpu.memref_slice %arg6[%rem3A_60, %dma_start3A_95, %dma_start3A_96] : memref<3x32x1024xf32, #tpu.memory_space<vmem>> -> memref<1x32x1024xf32, #tpu.memory_space<vmem>>
      %dma_start3A_98 = tpu.memref_squeeze %dma_start3A_97 : memref<1x32x1024xf32, #tpu.memory_space<vmem>> -> memref<32x1024xf32, #tpu.memory_space<vmem>>
      tpu.enqueue_dma source(%dma_start3A_98 : memref<32x1024xf32, #tpu.memory_space<vmem>>) target(%dma_start3A_94 : memref<32x1024xf32, #tpu.memory_space<hbm>>) target_semaphore(%dma_start3A_92 : memref<!tpu.dma_semaphore, #tpu.memory_space<semaphore_mem>>)
    }
    %scan3A_37 = arith.constant 32 : i32
    %add3A_38 = arith.constant 992 : i32
    %add3A_39 = arith.addi %mul3A_4, %add3A_38 : i32
    %dma_wait3A = arith.constant 1 : i32
    %dma_wait3A_40 = arith.constant 1 : i32
    %dma_wait3A_41 = arith.constant 0 : i32
    %dma_wait3A_42 = arith.constant 0 : i32
    %dma_wait3A_43 = tpu.memref_slice %arg6[%dma_wait3A, %dma_wait3A_41, %dma_wait3A_42] : memref<3x32x1024xf32, #tpu.memory_space<vmem>> -> memref<1x32x1024xf32, #tpu.memory_space<vmem>>
    %dma_wait3A_44 = tpu.memref_squeeze %dma_wait3A_43 : memref<1x32x1024xf32, #tpu.memory_space<vmem>> -> memref<32x1024xf32, #tpu.memory_space<vmem>>
    %dma_wait3A_45 = arith.constant 0 : i32
    %dma_wait3A_46 = tpu.memref_slice %arg4[%add3A_39, %dma_wait3A_45] : memref<32768x1024xf32, #tpu.memory_space<hbm>> -> memref<32x1024xf32, #tpu.memory_space<hbm>>
    %dma_wait3A_47 = tpu.memref_slice %arg8[%dma_wait3A_40] : memref<3x!tpu.dma_semaphore, #tpu.memory_space<semaphore_mem>> -> memref<1x!tpu.dma_semaphore, #tpu.memory_space<semaphore_mem>>
    %dma_wait3A_48 = tpu.memref_squeeze %dma_wait3A_47 : memref<1x!tpu.dma_semaphore, #tpu.memory_space<semaphore_mem>> -> memref<!tpu.dma_semaphore, #tpu.memory_space<semaphore_mem>>
    %dma_wait3A_49 = arith.constant 0 : i32
    %dma_wait3A_50 = tpu.memref_slice %arg4[%add3A_39, %dma_wait3A_49] : memref<32768x1024xf32, #tpu.memory_space<hbm>> -> memref<32x1024xf32, #tpu.memory_space<hbm>>
    %dma_wait3A_51 = arith.constant 0 : i32
    %dma_wait3A_52 = arith.constant 0 : i32
    %dma_wait3A_53 = tpu.memref_slice %arg6[%dma_wait3A, %dma_wait3A_51, %dma_wait3A_52] : memref<3x32x1024xf32, #tpu.memory_space<vmem>> -> memref<1x32x1024xf32, #tpu.memory_space<vmem>>
    %dma_wait3A_54 = tpu.memref_squeeze %dma_wait3A_53 : memref<1x32x1024xf32, #tpu.memory_space<vmem>> -> memref<32x1024xf32, #tpu.memory_space<vmem>>
    tpu.wait_dma2 semaphore(%dma_wait3A_48 : memref<!tpu.dma_semaphore, #tpu.memory_space<semaphore_mem>>) src(%dma_wait3A_54 : memref<32x1024xf32, #tpu.memory_space<vmem>>) dst(%dma_wait3A_50 : memref<32x1024xf32, #tpu.memory_space<hbm>>)
    return
  }
}

</mosaic_0001>

<sc_bundles>
// kernel: kernel.3.cloned.1.call-start
scs
__scs_entry_jumppad:
0x0: {  	(pc) =	sbr.rel $0x88, $3  }
0x1: {  	(tag) =	ssettag $0x0;
	lr =	simm.s32 $0x1  }
0x2: {  	[smem:$0x3F9F] =	sst lr;
	_ =	strace $0xD0000000  }
0x3: {  	_ = 	snop  }
0x4: {  	_ = 	snop  }
0x5: {  	_ = 	snop  }
0x6: {  	_ = 	snop  }
0x7: {  	_ = 	snop  }
__scs_overlays_trampoline_lowered:
0x8: {  	[smem:$0x3FAE] =	sst s0  }
0x9: {  	[smem:$0x3FAF] =	sst s1  }
0xa: {  	[smem:$0x3FB0] =	sst s2  }
0xb: {  	[smem:$0x3FB1] =	sst s3  }
0xc: {  	[smem:$0x3FB2] =	sst s4  }
0xd: {  	[smem:$0x3FB3] =	sst s5  }
0xe: {  	[smem:$0x3FB4] =	sst s6  }
0xf: {  	[smem:$0x3FB5] =	sst s7  }
0x10: {  	[smem:$0x3FB6] =	sst s8  }
0x11: {  	[smem:$0x3FB7] =	sst s9;
	s0 =	simm.s32 @!p0 $0x0  }
0x12: {  	s1 =	sld [smem:$0x3F9D];
	s0 =	simm.s32 @p0 $0x1  }
0x13: {  	[smem:$0x3FB8] =	sst s0;
	s0 =	simm.s32 @!p1 $0x0  }
0x14: {  	s2 =	sld [smem:$0x3F9C];
	s0 =	simm.s32 @p1 $0x1  }
0x15: {  	[smem:$0x3FB9] =	sst s0;
	s0 =	simm.s32 @!p2 $0x0  }
0x16: {  	s3 =	sld [smem:$0x3FDB];
	s0 =	simm.s32 @p2 $0x1  }
0x17: {  	s4 =	simm.s32 $0x1BF5;
	[smem:$0x3FBB] =	sst s0  }
0x18: {  	s0 =	sld [smem:$0x3F9E];
	_ =	swait.ge [sflag:s4], $0x0  }
0x19: {  	s7 =	sld [smem:$0x3F9F]  }
0x1a: {  	s8 =	sadd.s32 $0xFFFFE003, lr  }
0x1b: {  	s9 =	sadd.s32 $0xFFFFFEF7, lr;
	s5 =	simm.s32 $0xFFFFFFFF;
	p2 =	slt.u32 s8, $0xFFFFF086  }
0x1c: {  	p1 =	slt.u32 s9, $0xF7A;
	s5 =	simm.s32 @!p2 $0x0  }
0x1d: {  	s5 =	simm.s32 @p1 $0x1;
	p0 =	seq.s32 s7, s2  }
0x1e: {  	s7 =	smul.u32 @!p0 $0xF7A, s2;
	p2 =	seq.s32 @!p0 s5, $0x0  }
0x1f: {  	s9 =	smul.u32 $0xF7A, s1;
	s8 =	simm.s32 @!p0 $0x1BF5;
	p2 =	por !p2, p0  }
0x20: {  	[sflag:s8] =	ssyncset.s32 @!p0 $0xFFFFF086;
	s6 =	sadd.s32 @!p0 s3, s7;
	s7 =	simm.s32 @!p0 $0x108  }
0x21: {  	s3 =	sadd.s32 s3, s9;
	s6 =	sadd.s32 @!p0 $0x88, s6;
	s7 =	simm.s32 @p2 $0x1082  }
0x22: {  	[simem:s7], [sflag:s8] =	dma.local @!p0 [hbm:s6], $0xF7A  }
0x23: {  	s9 =	sor.u32 $0xD0000000, s2;
	s6 =	simm.s32 $0x108;
	_ =	swait.ge @!p0 [sflag:s8], $0x0  }
0x24: {  	s3 =	sadd.s32 $0x88, s3;
	s6 =	simm.s32 @!p1 $0x1082;
	[sflag:s4] =	ssyncset.s32 $0xFFFFF086  }
0x25: {  	[simem:s6], [sflag:s4] =	dma.local [hbm:s3], $0xF7A  }
0x26: {  	[smem:$0x3F9F] =	sst s1;
	(tag) =	ssettag s2;
	_ =	strace s9  }
0x27: {  	s1 =	sld [smem:$0x3FAF]  }
0x28: {  	s2 =	sld [smem:$0x3FB0]  }
0x29: {  	s4 =	sld [smem:$0x3FB2]  }
0x2a: {  	p0 =	seq.s32 s5, $0x0;
	s5 =	sld [smem:$0x3FB3]  }
0x2b: {  	s6 =	sld [smem:$0x3FB4]  }
0x2c: {  	s7 =	sld [smem:$0x3FB5]  }
0x2d: {  	s3 =	simm.s32 $0x108;
	s8 =	sld [smem:$0x3FB6]  }
0x2e: {  	s3 =	simm.s32 @!p0 $0x1082;
	s9 =	sld [smem:$0x3FB7]  }
0x2f: {  	lr =	sadd.s32 s0, s3;
	s0 =	sld [smem:$0x3FAE]  }
0x30: {  	s3 =	sld [smem:$0x3FB1]  }
0x31: {  	[smem:$0x3FBA] =	sst s10  }
0x32: {  	s10 =	sld [smem:$0x3FB8];
	_ =	sdelay $0x3  }
0x33: {  	p0 =	seq.s32 s10, $0x1;
	s10 =	sld [smem:$0x3FBA];
	_ =	sdelay $0x3  }
0x34: {  	[smem:$0x3FBA] =	sst s10  }
0x35: {  	s10 =	sld [smem:$0x3FB9];
	_ =	sdelay $0x3  }
0x36: {  	p1 =	seq.s32 s10, $0x1;
	s10 =	sld [smem:$0x3FBA];
	_ =	sdelay $0x3  }
0x37: {  	[smem:$0x3FBA] =	sst s10  }
0x38: {  	s10 =	sld [smem:$0x3FBB]  }
0x39: {  	_ = 	snop;
	(pc) =	sbr.ind lr, $3  }
0x3a: {  	_ = 	snop  }
0x3b: {  	_ = 	snop  }
0x3c: {  	p2 =	seq.s32 s10, $0x1;
	s10 =	sld [smem:$0x3FBA]  }
0x3d: {  	_ =	shalt  }
0x3e: {  	_ =	shalt  }
0x3f: {  	_ =	shalt  }
0x40: {  	_ =	shalt  }
0x41: {  	_ =	shalt  }
0x42: {  	_ =	shalt  }
0x43: {  	_ =	shalt  }
0x44: {  	_ =	shalt  }
0x45: {  	_ =	shalt  }
0x46: {  	_ =	shalt  }
0x47: {  	_ =	shalt  }
0x48: {  	_ =	shalt  }
0x49: {  	_ =	shalt  }
0x4a: {  	_ =	shalt  }
0x4b: {  	_ =	shalt  }
0x4c: {  	_ =	shalt  }
0x4d: {  	_ =	shalt  }
0x4e: {  	_ =	shalt  }
0x4f: {  	_ =	shalt  }
0x50: {  	_ =	shalt  }
0x51: {  	_ =	shalt  }
0x52: {  	_ =	shalt  }
0x53: {  	_ =	shalt  }
0x54: {  	_ =	shalt  }
0x55: {  	_ =	shalt  }
0x56: {  	_ =	shalt  }
0x57: {  	_ =	shalt  }
0x58: {  	_ =	shalt  }
0x59: {  	_ =	shalt  }
0x5a: {  	_ =	shalt  }
0x5b: {  	_ =	shalt  }
0x5c: {  	_ =	shalt  }
0x5d: {  	_ =	shalt  }
0x5e: {  	_ =	shalt  }
0x5f: {  	_ =	shalt  }
0x60: {  	_ =	shalt  }
0x61: {  	_ =	shalt  }
0x62: {  	_ =	shalt  }
0x63: {  	_ =	shalt  }
0x64: {  	_ =	shalt  }
0x65: {  	_ =	shalt  }
0x66: {  	_ =	shalt  }
0x67: {  	_ =	shalt  }
0x68: {  	_ =	shalt  }
0x69: {  	_ =	shalt  }
0x6a: {  	_ =	shalt  }
0x6b: {  	_ =	shalt  }
0x6c: {  	_ =	shalt  }
0x6d: {  	_ =	shalt  }
0x6e: {  	_ =	shalt  }
0x6f: {  	_ =	shalt  }
0x70: {  	_ =	shalt  }
0x71: {  	_ =	shalt  }
0x72: {  	_ =	shalt  }
0x73: {  	_ =	shalt  }
0x74: {  	_ =	shalt  }
0x75: {  	_ =	shalt  }
0x76: {  	_ =	shalt  }
0x77: {  	_ =	shalt  }
0x78: {  	_ =	shalt  }
0x79: {  	_ =	shalt  }
0x7a: {  	_ =	shalt  }
0x7b: {  	_ =	shalt  }
0x7c: {  	_ =	shalt  }
0x7d: {  	_ =	shalt  }
0x7e: {  	_ =	shalt  }
0x7f: {  	_ =	shalt  }
0x80: {  	_ =	shalt  }
0x81: {  	_ =	shalt  }
0x82: {  	_ =	shalt  }
0x83: {  	_ =	shalt  }
0x84: {  	_ =	shalt  }
0x85: {  	_ =	shalt  }
0x86: {  	_ =	shalt  }
0x87: {  	_ =	shalt  }
.Lfunc_end0:
.L_simem_size_0:
called_computation_lowered:
.L_overlay_start_0:
0x88: {  	s2 =	sld [smem:$0x3FD9]  }
0x89: {  	s3 =	sld [smem:$0x3FFE];
	_ =	sdelay $0x1  }
0x8a: {  	s1 =	srdreg.scid  }
0x8b: {  	s0 =	sand.u32 $0x1, s1  }
0x8c: {  	s17 =	sshll.u32 s0, $0xA;
	s2 =	sadd.s32 s3, s2  }
0x8d: {  	s2 =	sadd.s32 s2, s17  }
0x8e: {  	[smem:$0x3FC6] =	sst s2  }
0x8f: {  	_ = 	snop  }
0x90: {  	s2 =	sld [smem:$0x3FC8]  }
0x91: {  	s18 =	sld [smem:$0x3FD0];
	(tm) =	ssettm $0x1  }
0x92: {  	s4 =	sld [smem:$0x3FFB];
	_ =	sdelay $0x3  }
0x93: {  	_ =	strace s4  }
0x94: {  	s4 =	sld [smem:$0x3FFC];
	_ =	sdelay $0x3  }
0x95: {  	_ =	strace s4  }
0x96: {  	s4 =	sld [smem:$0x3FFD];
	_ =	sdelay $0x3  }
0x97: {  	_ =	strace s4  }
0x98: {  	_ =	strace $0x8FFFFFFF  }
0x99: {  	s19 =	sld [smem:$0x3FDB];
	_ =	sdelay $0x1  }
0x9a: {  	s5 =	simm.s32 $_scs_section_size  }
0x9b: {  	s6 =	simm.s32 $_size__tile_overlayer_lowered;
	s7 =	simm.s32 $_tile_overlayer_lowered  }
0x9c: {  	s22 =	simm.s32 $0x1BFF;
	s21 =	sshll.u32 s7, $0x1;
	s4 =	sadd.s32 s5, s19  }
0x9d: {  	s8 =	simm.s32 $0x0;
	s20 =	sshll.u32 s6, $0x1;
	s6 =	sadd.s32 s21, s4  }
0x9e: {  	[timem:s8], [sflag:s22] =	dma.local [hbm:s6], s20  }
0x9f: {  	_ =	swait.ge [sflag:s22], s20  }
0xa0: {  	s5 =	ssub.s32 $0x0, s20;
	[sflag:s22] =	ssyncset.done $0x0  }
0xa1: {  	[sflag:s22] =	ssyncadd.s32 s5;
	_ =	sdelay $0x1  }
0xa2: {  	s23 =	simm.s32 $0x1B8B  }
0xa3: {  	_ =	swait.ge [sflag:s23], $0x1  }
0xa4: {  	[sflag:s23] =	ssyncset.done $0x0  }
0xa5: {  	s25 =	simm.s32 $0x1B8E;
	s24 =	sld [smem:$0x3FFE];
	[sflag:s23] =	ssyncadd.s32 $0xFFFFFFFF  }
0xa6: {  	s26 =	simm.s32 $execute0_lowered;
	[smem:$0x3FD2] =	sst s25  }
0xa7: {  	s6 =	sshll.u32 s26, $0x1;
	_ =	strace $0x80000046;
	[dreg:$0x1] =	wrdreg $0xFFFFFFFF  }
0xa8: {  	s28 =	simm.s32 $_size_execute0_lowered;
	s4 =	sadd.s32 s4, s6;
	[dreg:$0x0] =	wrdreg $0x0  }
0xa9: {  	s6 =	sshll.u32 s28, $0x1;
	[dreg:$0x2] =	wrdreg s4  }
0xaa: {  	[dreg:$0x3] =	wrdreg s6  }
0xab: {  	[dreg:$0x4] =	wrdreg $0xC0  }
0xac: {  	_ =	task [dreg:s8], $0x5FFFF  }
0xad: {  	[dreg:$0x1] =	wrdreg $0xFFFFFFFF  }
0xae: {  	[dreg:$0x0] =	wrdreg $0x60  }
0xaf: {  	[dreg:$0x2] =	wrdreg s2  }
0xb0: {  	[dreg:$0x3] =	wrdreg s24  }
0xb1: {  	[dreg:$0x4] =	wrdreg s18  }
0xb2: {  	[dreg:$0x5] =	wrdreg $0x9  }
0xb3: {  	_ =	task.clear_ibuf [dreg:s8], $0x6FFFF;
	_ =	strace $0x90000046  }
0xb4: {  	s29 =	simm.s32 $0x9;
	_ =	strace $0x80000048  }
0xb5: {  	_ =	swait.ge [sflag:s29], $0x1  }
0xb6: {  	[sflag:s29] =	ssyncadd.s32 $0xFFFFFFFF  }
0xb7: {  	_ =	strace $0x90000048  }
0xb8: {  	_ =	sfence  }
0xb9: {  	s30 =	sld [smem:$0x0];
	_ =	sdelay $0x2  }
0xba: {  	s31 =	sshll.u32 s1, $0xD;
	s1 =	sshrl.u32 s1, $0x2  }
0xbb: {  	s3 =	sand.u32 $0x4000, s31;
	s1 =	sadd.s32 s1, s30  }
0xbc: {  	s0 =	sor.u32 s3, s0;
	s1 =	sshll.u32 s1, $0x11  }
0xbd: {  	s0 =	sor.u32 s1, s0  }
0xbe: {  	s0 =	sadd.s32 $0x8F2B, s0  }
0xbf: {  	[sflag:s0] =	ssyncadd.remote.s32 $0x1  }
0xc0: {  	_ =	sfence.sel $0xFFFF  }
0xc1: {  	[dreg:$0x0] =	wrdreg $0xFFFFFFFF;
	(pc) =	sbr.abs _section_cstart, $3  }
0xc2: {  	[dreg:$0x1] =	wrdreg $0xFFFFFFFF  }
0xc3: {  	_ =	task.clear_ibuf [dreg:s8], $0x2FFFF;
	_ =	strace $0x9FFFFFFF  }
0xc4: {  	(tm) =	ssettm $0x7FFFFFFF  }
0xc5: {  	_ =	shalt  }
tec
execute0_lowered:
.L_overlay_start_1:
0x0: {  	(tag) =	ssettag $0x1  }
0x1: {  	s1 =	rddreg [dreg:$0x0]  }
0x2: {  	s0 =	rddreg [dreg:$0x1]  }
0x3: {  	s2 =	rddreg [dreg:$0x2];
	s3 =	srdreg.scid  }
0x4: {  	s10 =	stileid.u32;
	s30 =	simm.s32 $0xA000;
	s31 =	simm.s32 $0xA800  }
0x5: {  	s11 =	simm.s32 $0xC000;
	s12 =	simm.s32 $0xC800;
	s13 =	simm.s32 $0xD000  }
0x6: {  	s14 =	simm.s32 $0xD800;
	s15 =	simm.s32 $0xE000;
	s16 =	simm.s32 $0xE800  }
0x7: {  	s17 =	simm.s32 $0xF000;
	s18 =	simm.s32 $0xF800;
	s19 =	simm.s32 $0x10000  }
0x8: {  	s20 =	simm.s32 $0x10800;
	s21 =	simm.s32 $0x5;
	s22 =	simm.s32 $0x0  }
0x9: {  	s9 =	sand.u32 $0x1, s3;
	s3 =	simm.s32 $0x0;
	s4 =	sshll.u32 s10, $0xA  }
0xa: {  	s6 =	sadd.s32 $0x200, s1;
	s7 =	sadd.s32 $0x300, s1;
	s28 =	sshll.u32 s10, $0x12  }
0xb: {  	s10 =	simm.s32 $0x7;
	s5 =	sshll.u32 s9, $0x9;
	[smem:$0x7FF] =	sst s3  }
.Ltmp0:
0xc: {  	s25 =	ssub.s32 $0x2, s9;
	s29 =	sshll.u32 s9, $0x11;
	(pc) =	sbr.rel .LBB2_1-.Ltmp0, $4  }
0xd: {  	s4 =	sor.u32 s5, s4;
	_ =	strace $0x80000047;
	s26 =	sshrl.u32 s25, $0x1  }
0xe: {  	v2 =	vlaneseq.u32;
	s5 =	sadd.s32 $0x100, s1;
	s0 =	sadd.s32 s4, s0;
	s8 =	ssub.s32 s25, s26  }
0xf: {  	vm0 =	vmmov $0xffff;
	v1 =	vshrl.u32 v2, $0x3;
	s4 =	sadd.s32 $0x400, s0;
	s8 =	smax.u32 s8, $0x1;
	s0 =	sadd.s32 s28, s2  }
0x10: {  	v0 =	vand.u32 $0x7, v2;
	v2 =	vor.u32 $0x8, v2;
	v1 =	vmul.u32 $0x8, v1;
	s2 =	simm.s32 $0xB800;
	s24 =	sadd.s32 s29, s0;
	s0 =	simm.s32 $0xB000  }
.LBB2_5:
0x11: {  	s22 =	sadd.s32 $0x1, s22  }
0x12: {  	p0 =	sne.s32 s22, s8  }
.Ltmp1:
0x13: {  	_ = 	snop;
	(pc) =	sbr.rel @!p0 .LBB2_6-.Ltmp1, $4  }
0x14: {  	_ = 	snop  }
0x15: {  	_ =	swait.ge [sflag:s21], $0x8000  }
0x16: {  	[sflag:s21] =	ssyncset.done $0x0  }
0x17: {  	[sflag:s21] =	ssyncadd.s32 $0xFFFF8000  }
.LBB2_1:
0x18: {  	[tilespmem:s3], [sflag:$0x7] =	stream.linear.gather [hbm4b:s4+s3], $0x1000, $0x38;
	[tilespmem:$0x19000] =	vst v63  }
0x19: {  	_ =	swait.ge [sflag:s10], $0x1000  }
0x1a: {  	[sflag:s10] =	ssyncset.done $0x0  }
0x1b: {  	[sflag:s10] =	ssyncadd.s32 $0xFFFFF000  }
0x1c: {  	v3 =	vld [tilespmem:$0x0];
	_ =	sdelay $0x4  }
0x1d: {  	v4 =	vshll.u32 v3, $0x3  }
0x1e: {  	v3 =	vand.u32 $0x7, v3;
	v4 =	vand.u32 $0xFFFFFFC0, v4  }
0x1f: {  	v3 =	vor.u32 v3, v4  }
0x20: {  	v4 =	vperm.xlane v3, v0;
	_ =	sdelay $0x1  }
0x21: {  	v4 =	vadd.s32 v1, v4;
	_ =	sdelay $0x3  }
0x22: {  	s9 =	simm.s32 $0x1000  }
0x23: {  	[tilespmem:s9], [sflag:$0x1] =	stream.indirect_vreg.gather [hbm4b:s1+s3], $0x80, v4, vm0, $0xb8;
	[tilespmem:$0x19000] =	vst v63  }
0x24: {  	s28 =	simm.s32 $0x1800;
	v3 =	vperm.xlane v3, v2  }
0x25: {  	[tilespmem:s28], [sflag:$0x1] =	stream.indirect_vreg.gather [hbm4b:s5+s3], $0x80, v4, vm0, $0xb8;
	[tilespmem:$0x19000] =	vst v63  }
0x26: {  	s29 =	simm.s32 $0x2000;
	v3 =	vadd.s32 v1, v3  }
0x27: {  	[tilespmem:s29], [sflag:$0x1] =	stream.indirect_vreg.gather [hbm4b:s6+s3], $0x80, v4, vm0, $0xb8;
	[tilespmem:$0x19000] =	vst v63  }
0x28: {  	s23 =	simm.s32 $0x2800  }
0x29: {  	[tilespmem:s23], [sflag:$0x1] =	stream.indirect_vreg.gather [hbm4b:s7+s3], $0x80, v4, vm0, $0xb8;
	[tilespmem:$0x19000] =	vst v63  }
0x2a: {  	s25 =	simm.s32 $0x3000  }
0x2b: {  	[tilespmem:s25], [sflag:$0x1] =	stream.indirect_vreg.gather [hbm4b:s1+s3], $0x80, v3, vm0, $0xb8;
	[tilespmem:$0x19000] =	vst v63  }
0x2c: {  	s26 =	simm.s32 $0x3800  }
0x2d: {  	[tilespmem:s26], [sflag:$0x1] =	stream.indirect_vreg.gather [hbm4b:s5+s3], $0x80, v3, vm0, $0xb8;
	[tilespmem:$0x19000] =	vst v63  }
0x2e: {  	s28 =	simm.s32 $0x4000  }
0x2f: {  	[tilespmem:s28], [sflag:$0x1] =	stream.indirect_vreg.gather [hbm4b:s6+s3], $0x80, v3, vm0, $0xb8;
	[tilespmem:$0x19000] =	vst v63  }
0x30: {  	s29 =	simm.s32 $0x4800  }
0x31: {  	[tilespmem:s29], [sflag:$0x1] =	stream.indirect_vreg.gather [hbm4b:s7+s3], $0x80, v3, vm0, $0xb8;
	[tilespmem:$0x19000] =	vst v63  }
0x32: {  	v3 =	vld [tilespmem:$0x10];
	_ =	sdelay $0x4  }
0x33: {  	v61 =	vshll.u32 v3, $0x3  }
0x34: {  	v3 =	vand.u32 $0x7, v3;
	v4 =	vand.u32 $0xFFFFFFC0, v61  }
0x35: {  	v3 =	vor.u32 v3, v4  }
0x36: {  	v4 =	vperm.xlane v3, v0;
	_ =	sdelay $0x1  }
0x37: {  	v4 =	vadd.s32 v1, v4;
	_ =	sdelay $0x3  }
0x38: {  	s23 =	simm.s32 $0x5000  }
0x39: {  	[tilespmem:s23], [sflag:$0x1] =	stream.indirect_vreg.gather [hbm4b:s1+s3], $0x80, v4, vm0, $0xb8;
	[tilespmem:$0x19000] =	vst v63  }
0x3a: {  	s25 =	simm.s32 $0x5800;
	v3 =	vperm.xlane v3, v2  }
0x3b: {  	[tilespmem:s25], [sflag:$0x1] =	stream.indirect_vreg.gather [hbm4b:s5+s3], $0x80, v4, vm0, $0xb8;
	[tilespmem:$0x19000] =	vst v63  }
0x3c: {  	s26 =	simm.s32 $0x6000;
	v3 =	vadd.s32 v1, v3  }
0x3d: {  	[tilespmem:s26], [sflag:$0x1] =	stream.indirect_vreg.gather [hbm4b:s6+s3], $0x80, v4, vm0, $0xb8;
	[tilespmem:$0x19000] =	vst v63  }
0x3e: {  	s28 =	simm.s32 $0x6800  }
0x3f: {  	[tilespmem:s28], [sflag:$0x1] =	stream.indirect_vreg.gather [hbm4b:s7+s3], $0x80, v4, vm0, $0xb8;
	[tilespmem:$0x19000] =	vst v63  }
0x40: {  	s29 =	simm.s32 $0x7000  }
0x41: {  	[tilespmem:s29], [sflag:$0x1] =	stream.indirect_vreg.gather [hbm4b:s1+s3], $0x80, v3, vm0, $0xb8;
	[tilespmem:$0x19000] =	vst v63  }
0x42: {  	s23 =	simm.s32 $0x7800  }
0x43: {  	[tilespmem:s23], [sflag:$0x1] =	stream.indirect_vreg.gather [hbm4b:s5+s3], $0x80, v3, vm0, $0xb8;
	[tilespmem:$0x19000] =	vst v63  }
0x44: {  	s25 =	simm.s32 $0x8000  }
0x45: {  	[tilespmem:s25], [sflag:$0x1] =	stream.indirect_vreg.gather [hbm4b:s6+s3], $0x80, v3, vm0, $0xb8;
	[tilespmem:$0x19000] =	vst v63  }
0x46: {  	s26 =	simm.s32 $0x8800  }
0x47: {  	[tilespmem:s26], [sflag:$0x1] =	stream.indirect_vreg.gather [hbm4b:s7+s3], $0x80, v3, vm0, $0xb8;
	[tilespmem:$0x19000] =	vst v63  }
0x48: {  	v3 =	vld [tilespmem:$0x80];
	_ =	sdelay $0x4  }
0x49: {  	v62 =	vshll.u32 v3, $0x3  }
0x4a: {  	v3 =	vand.u32 $0x7, v3;
	v4 =	vand.u32 $0xFFFFFFC0, v62  }
0x4b: {  	v3 =	vor.u32 v3, v4  }
0x4c: {  	v4 =	vperm.xlane v3, v0;
	_ =	sdelay $0x1  }
0x4d: {  	v4 =	vadd.s32 v1, v4;
	_ =	sdelay $0x3  }
0x4e: {  	s28 =	simm.s32 $0x9000  }
0x4f: {  	[tilespmem:s28], [sflag:$0x2] =	stream.indirect_vreg.gather [hbm4b:s1+s3], $0x80, v4, vm0, $0xb8;
	[tilespmem:$0x19000] =	vst v63  }
0x50: {  	s29 =	simm.s32 $0x9800;
	v3 =	vperm.xlane v3, v2  }
0x51: {  	[tilespmem:s29], [sflag:$0x2] =	stream.indirect_vreg.gather [hbm4b:s5+s3], $0x80, v4, vm0, $0xb8;
	[tilespmem:$0x19000] =	vst v63  }
0x52: {  	v3 =	vadd.s32 v1, v3  }
0x53: {  	[tilespmem:s30], [sflag:$0x2] =	stream.indirect_vreg.gather [hbm4b:s6+s3], $0x80, v4, vm0, $0xb8;
	[tilespmem:$0x19000] =	vst v63  }
0x54: {  	_ = 	snop  }
0x55: {  	[tilespmem:s31], [sflag:$0x2] =	stream.indirect_vreg.gather [hbm4b:s7+s3], $0x80, v4, vm0, $0xb8;
	[tilespmem:$0x19000] =	vst v63  }
0x56: {  	_ = 	snop  }
0x57: {  	[tilespmem:s0], [sflag:$0x2] =	stream.indirect_vreg.gather [hbm4b:s1+s3], $0x80, v3, vm0, $0xb8;
	[tilespmem:$0x19000] =	vst v63  }
0x58: {  	_ = 	snop  }
0x59: {  	[tilespmem:s2], [sflag:$0x2] =	stream.indirect_vreg.gather [hbm4b:s5+s3], $0x80, v3, vm0, $0xb8;
	[tilespmem:$0x19000] =	vst v63  }
0x5a: {  	_ = 	snop  }
0x5b: {  	[tilespmem:s11], [sflag:$0x2] =	stream.indirect_vreg.gather [hbm4b:s6+s3], $0x80, v3, vm0, $0xb8;
	[tilespmem:$0x19000] =	vst v63  }
0x5c: {  	_ = 	snop  }
0x5d: {  	[tilespmem:s12], [sflag:$0x2] =	stream.indirect_vreg.gather [hbm4b:s7+s3], $0x80, v3, vm0, $0xb8;
	[tilespmem:$0x19000] =	vst v63  }
0x5e: {  	v3 =	vld [tilespmem:$0x90];
	_ =	sdelay $0x4  }
0x5f: {  	v63 =	vshll.u32 v3, $0x3  }
0x60: {  	v3 =	vand.u32 $0x7, v3;
	v4 =	vand.u32 $0xFFFFFFC0, v63  }
0x61: {  	v3 =	vor.u32 v3, v4  }
0x62: {  	v4 =	vperm.xlane v3, v0;
	_ =	sdelay $0x1  }
0x63: {  	v4 =	vadd.s32 v1, v4;
	_ =	sdelay $0x4  }
0x64: {  	[tilespmem:s13], [sflag:$0x2] =	stream.indirect_vreg.gather [hbm4b:s1+s3], $0x80, v4, vm0, $0xb8;
	[tilespmem:$0x19000] =	vst v63  }
0x65: {  	v3 =	vperm.xlane v3, v2  }
0x66: {  	[tilespmem:s14], [sflag:$0x2] =	stream.indirect_vreg.gather [hbm4b:s5+s3], $0x80, v4, vm0, $0xb8;
	[tilespmem:$0x19000] =	vst v63  }
0x67: {  	v3 =	vadd.s32 v1, v3  }
0x68: {  	[tilespmem:s15], [sflag:$0x2] =	stream.indirect_vreg.gather [hbm4b:s6+s3], $0x80, v4, vm0, $0xb8;
	[tilespmem:$0x19000] =	vst v63  }
0x69: {  	_ = 	snop  }
0x6a: {  	[tilespmem:s16], [sflag:$0x2] =	stream.indirect_vreg.gather [hbm4b:s7+s3], $0x80, v4, vm0, $0xb8;
	[tilespmem:$0x19000] =	vst v63  }
0x6b: {  	_ = 	snop  }
0x6c: {  	[tilespmem:s17], [sflag:$0x2] =	stream.indirect_vreg.gather [hbm4b:s1+s3], $0x80, v3, vm0, $0xb8;
	[tilespmem:$0x19000] =	vst v63  }
0x6d: {  	_ = 	snop  }
0x6e: {  	[tilespmem:s18], [sflag:$0x2] =	stream.indirect_vreg.gather [hbm4b:s5+s3], $0x80, v3, vm0, $0xb8;
	[tilespmem:$0x19000] =	vst v63  }
.Ltmp2:
0x6f: {  	_ = 	snop;
	(pc) =	sbr.rel .LBB2_2-.Ltmp2, $4  }
0x70: {  	_ = 	snop  }
0x71: {  	[tilespmem:s19], [sflag:$0x2] =	stream.indirect_vreg.gather [hbm4b:s6+s3], $0x80, v3, vm0, $0xb8;
	[tilespmem:$0x19000] =	vst v63  }
0x72: {  	s9 =	smov.u32 s24;
	s23 =	simm.s32 $0x110;
	s25 =	simm.s32 $0x0  }
0x73: {  	[tilespmem:s20], [sflag:$0x2] =	stream.indirect_vreg.gather [hbm4b:s7+s3], $0x80, v3, vm0, $0xb8;
	[tilespmem:$0x19000] =	vst v63  }
.LBB2_4:
0x74: {  	s26 =	smul.u32 $0xAB, s25;
	_ =	sdelay $0x1  }
0x75: {  	s26 =	sshrl.u32 s26, $0x9  }
0x76: {  	s26 =	sand.u32 $0x7F, s26  }
0x77: {  	s26 =	smul.u32 $0x3, s26;
	_ =	sdelay $0x1  }
0x78: {  	s26 =	ssub.s32 s25, s26  }
0x79: {  	s25 =	sadd.s32 $0x1, s25;
	s26 =	sand.u32 $0xFF, s26  }
0x7a: {  	p0 =	sne.s32 s25, $0x20;
	s28 =	sadd.s32 $0x1, s26  }
.Ltmp3:
0x7b: {  	_ =	swait.ge [sflag:s28], $0x8000;
	(pc) =	sbr.rel @!p0 .LBB2_5-.Ltmp3, $4  }
0x7c: {  	s29 =	sshll.u32 s26, $0xF;
	[sflag:s28] =	ssyncset.done $0x0  }
0x7d: {  	s26 =	sadd.s32 $0x4, s26;
	s29 =	sor.u32 $0x1000, s29;
	[sflag:s28] =	ssyncadd.s32 $0xFFFF8000  }
0x7e: {  	[hbm4b:s9+s3] =	stream.linear.scatter [tilespmem:s29], [sflag:s26], $0x8000, $0x38;
	[tilespmem:$0x19000] =	vst v63  }
0x7f: {  	s23 =	sadd.s32 $0x80, s23;
	s9 =	sadd.s32 $0x1000, s9  }
.LBB2_2:
0x80: {  	p0 =	seq.s32 s25, $0x0  }
0x81: {  	s26 =	sadd.s32 @!p0 $0x2, s25  }
0x82: {  	s28 =	sand.u32 @!p0 $0xFF, s26  }
0x83: {  	s28 =	smul.u32 @!p0 $0xAB, s28;
	_ =	sdelay $0x1  }
0x84: {  	s28 =	sshrl.u32 @!p0 s28, $0x9  }
0x85: {  	s28 =	smul.u32 @!p0 $0x3, s28  }
0x86: {  	p1 =	sgt.u32 @!p0 s25, $0x1D  }
0x87: {  	p1 =	por p0, !p1;
	s26 =	ssub.s32 @!p0 s26, s28  }
.Ltmp4:
0x88: {  	s26 =	sor.u32 @!p0 $0x4, s26;
	(pc) =	sbr.rel @!p1 .LBB2_4-.Ltmp4, $4  }
0x89: {  	s26 =	sand.u32 @!p0 $0xFF, s26  }
0x8a: {  	_ =	swait.ge @!p0 [sflag:s26], $0x8000  }
0x8b: {  	[sflag:s26] =	ssyncset.done @!p0 $0x0  }
0x8c: {  	[sflag:s26] =	ssyncadd.s32 @!p0 $0xFFFF8000  }
0x8d: {  	v3 =	vld [tilespmem:s23+$0xFFFFFFF0];
	_ =	sdelay $0x3  }
0x8e: {  	s26 =	sadd.s32 $0x2, s25  }
0x8f: {  	s28 =	smul.u32 $0xAB, s26;
	v4 =	vshll.u32 v3, $0x3  }
0x90: {  	v3 =	vand.u32 $0x7, v3;
	v4 =	vand.u32 $0xFFFFFFC0, v4  }
0x91: {  	s28 =	sshrl.u32 s28, $0x9;
	v3 =	vor.u32 v3, v4  }
0x92: {  	s28 =	sand.u32 $0x7F, s28;
	v4 =	vperm.xlane v3, v0  }
0x93: {  	s28 =	smul.u32 $0x3, s28  }
0x94: {  	v4 =	vadd.s32 v1, v4  }
0x95: {  	s26 =	ssub.s32 s26, s28  }
0x96: {  	s26 =	sand.u32 $0xFF, s26  }
0x97: {  	s28 =	sshll.u32 s26, $0xF  }
0x98: {  	s26 =	sadd.s32 $0x1, s26;
	s29 =	sor.u32 $0x1000, s28  }
0x99: {  	[tilespmem:s29], [sflag:s26] =	stream.indirect_vreg.gather [hbm4b:s1+s3], $0x80, v4, vm0, $0xb8;
	[tilespmem:$0x19000] =	vst v63  }
0x9a: {  	v3 =	vperm.xlane v3, v2;
	s29 =	sor.u32 $0x1800, s28  }
0x9b: {  	[tilespmem:s29], [sflag:s26] =	stream.indirect_vreg.gather [hbm4b:s5+s3], $0x80, v4, vm0, $0xb8;
	[tilespmem:$0x19000] =	vst v63  }
0x9c: {  	v3 =	vadd.s32 v1, v3;
	s29 =	sor.u32 $0x2000, s28  }
0x9d: {  	[tilespmem:s29], [sflag:s26] =	stream.indirect_vreg.gather [hbm4b:s6+s3], $0x80, v4, vm0, $0xb8;
	[tilespmem:$0x19000] =	vst v63  }
0x9e: {  	s29 =	sor.u32 $0x2800, s28  }
0x9f: {  	[tilespmem:s29], [sflag:s26] =	stream.indirect_vreg.gather [hbm4b:s7+s3], $0x80, v4, vm0, $0xb8;
	[tilespmem:$0x19000] =	vst v63  }
0xa0: {  	s29 =	sor.u32 $0x3000, s28  }
0xa1: {  	[tilespmem:s29], [sflag:s26] =	stream.indirect_vreg.gather [hbm4b:s1+s3], $0x80, v3, vm0, $0xb8;
	[tilespmem:$0x19000] =	vst v63  }
0xa2: {  	s29 =	sor.u32 $0x3800, s28  }
0xa3: {  	[tilespmem:s29], [sflag:s26] =	stream.indirect_vreg.gather [hbm4b:s5+s3], $0x80, v3, vm0, $0xb8;
	[tilespmem:$0x19000] =	vst v63  }
0xa4: {  	s29 =	sor.u32 $0x4000, s28  }
0xa5: {  	[tilespmem:s29], [sflag:s26] =	stream.indirect_vreg.gather [hbm4b:s6+s3], $0x80, v3, vm0, $0xb8;
	[tilespmem:$0x19000] =	vst v63  }
0xa6: {  	s29 =	sor.u32 $0x4800, s28  }
0xa7: {  	[tilespmem:s29], [sflag:s26] =	stream.indirect_vreg.gather [hbm4b:s7+s3], $0x80, v3, vm0, $0xb8;
	[tilespmem:$0x19000] =	vst v63  }
0xa8: {  	v3 =	vld [tilespmem:s23+$0x0];
	_ =	sdelay $0x4  }
0xa9: {  	v63 =	vshll.u32 v3, $0x3  }
0xaa: {  	v3 =	vand.u32 $0x7, v3;
	v4 =	vand.u32 $0xFFFFFFC0, v63  }
0xab: {  	v3 =	vor.u32 v3, v4  }
0xac: {  	v4 =	vperm.xlane v3, v0;
	_ =	sdelay $0x1  }
0xad: {  	v4 =	vadd.s32 v1, v4;
	_ =	sdelay $0x3  }
0xae: {  	s29 =	sor.u32 $0x5000, s28  }
0xaf: {  	[tilespmem:s29], [sflag:s26] =	stream.indirect_vreg.gather [hbm4b:s1+s3], $0x80, v4, vm0, $0xb8;
	[tilespmem:$0x19000] =	vst v63  }
0xb0: {  	v3 =	vperm.xlane v3, v2;
	s29 =	sor.u32 $0x5800, s28  }
0xb1: {  	[tilespmem:s29], [sflag:s26] =	stream.indirect_vreg.gather [hbm4b:s5+s3], $0x80, v4, vm0, $0xb8;
	[tilespmem:$0x19000] =	vst v63  }
0xb2: {  	v3 =	vadd.s32 v1, v3;
	s29 =	sor.u32 $0x6000, s28  }
0xb3: {  	[tilespmem:s29], [sflag:s26] =	stream.indirect_vreg.gather [hbm4b:s6+s3], $0x80, v4, vm0, $0xb8;
	[tilespmem:$0x19000] =	vst v63  }
0xb4: {  	s29 =	sor.u32 $0x6800, s28  }
0xb5: {  	[tilespmem:s29], [sflag:s26] =	stream.indirect_vreg.gather [hbm4b:s7+s3], $0x80, v4, vm0, $0xb8;
	[tilespmem:$0x19000] =	vst v63  }
0xb6: {  	s29 =	sor.u32 $0x7000, s28  }
0xb7: {  	[tilespmem:s29], [sflag:s26] =	stream.indirect_vreg.gather [hbm4b:s1+s3], $0x80, v3, vm0, $0xb8;
	[tilespmem:$0x19000] =	vst v63  }
0xb8: {  	s29 =	sor.u32 $0x7800, s28  }
0xb9: {  	[tilespmem:s29], [sflag:s26] =	stream.indirect_vreg.gather [hbm4b:s5+s3], $0x80, v3, vm0, $0xb8;
	[tilespmem:$0x19000] =	vst v63  }
.Ltmp5:
0xba: {  	_ = 	snop;
	(pc) =	sbr.rel .LBB2_4-.Ltmp5, $4  }
0xbb: {  	s29 =	sadd.s32 $0x8000, s28  }
0xbc: {  	[tilespmem:s29], [sflag:s26] =	stream.indirect_vreg.gather [hbm4b:s6+s3], $0x80, v3, vm0, $0xb8;
	[tilespmem:$0x19000] =	vst v63  }
0xbd: {  	s28 =	sadd.s32 $0x8800, s28  }
0xbe: {  	[tilespmem:s28], [sflag:s26] =	stream.indirect_vreg.gather [hbm4b:s7+s3], $0x80, v3, vm0, $0xb8;
	[tilespmem:$0x19000] =	vst v63  }
.LBB2_6:
0xbf: {  	_ =	sfence.sel $0x180000  }
0xc0: {  	[bflag:$0x0] =	sbarrier.arrive $0xFFFF  }
0xc1: {  	_ =	strace $0x90000047  }
0xc2: {  	s0 =	stileid.u32;
	[bflag:$0x2] =	sbarrier.arrive $0xFFFF  }
0xc3: {  	p0 =	sne.s32 s0, $0x0;
	s0 =	rddreg [dreg:$0x3]  }
0xc4: {  	s0 =	sadd.s32 @!p0 $0x100000, s0  }
0xc5: {  	[sflag:s0] =	ssyncadd.tile.s32 @!p0 $0x1;
	_ =	shalt  }
.Lfunc_end2:
_tile_overlayer_lowered:
.L_overlay_start_2:
0xc6: {  	(tag) =	ssettag $0x2  }
0xc7: {  	s0 =	rddreg [dreg:$0x0];
	s2 =	stileid.u32  }
0xc8: {  	s1 =	rddreg [dreg:$0x1];
	p0 =	sne.s32 s2, $0x0  }
0xc9: {  	s3 =	rddreg [dreg:$0x2];
	[bflag:$0x3] =	sbarrier.arrive $0xFFFF;
	s2 =	simm.s32 @!p0 $0x1C07  }
0xca: {  	[timem:s3], [sflag:s2] =	dma.local @!p0 [hbm:s0], s1  }
0xcb: {  	s0 =	simm.s32 @!p0 $0x7  }
0xcc: {  	_ =	swait.ge @!p0 [sflag:s0], s1  }
0xcd: {  	s1 =	ssub.s32 @!p0 $0x0, s1;
	[sflag:s0] =	ssyncset.done @!p0 $0x0  }
0xce: {  	[sflag:s0] =	ssyncadd.s32 @!p0 s1  }
0xcf: {  	[bflag:$0x3] =	sbarrier.arrive $0xFFFF  }
0xd0: {  	_ =	shalt  }

</sc_bundles>
